<compile_context>
chip_gen: v7x
topology: tpu7x:2x2x1
jax: 0.10.2.dev20260603
libtpu: 0.0.44.dev20260713+nightly
codegen_flags: <defaults>
</compile_context>

<pallas_src>
import functools
import math

import jax
import jax.numpy as jnp
from jax import lax
from jax.experimental import pallas as pl
from jax.experimental.pallas import tpu as pltpu
from jax.experimental.pallas import tpu_sc as plsc

VOCAB = 100000
EMB = 300
DM = 512
B = 1024
L = 200
N_TOK = B * L
SCALE = math.sqrt(DM)


BM = 4096


def _proj_body(wvt_ref, w_ref, out_ref):
    out_ref[...] = lax.dot_general(
        wvt_ref[...], w_ref[...],
        dimension_numbers=(((0,), (1,)), ((), ())),
        preferred_element_type=jnp.float32,
    ) * SCALE


def _project_table(word_vectors, W):
    wvt = word_vectors.T
    return pl.pallas_call(
        _proj_body,
        grid=((VOCAB + BM - 1) // BM,),
        in_specs=[
            pl.BlockSpec((EMB, BM), lambda i: (0, i)),
            pl.BlockSpec((DM, EMB), lambda i: (0, 0)),
        ],
        out_specs=pl.BlockSpec((BM, DM), lambda i: (i, 0)),
        out_shape=jax.ShapeDtypeStruct((VOCAB, DM), jnp.float32),
    )(wvt, W)



_INFO = plsc.get_sparse_core_info()
NC = _INFO.num_cores
NS = _INFO.num_subcores
NW = NC * NS
B_PER_W = N_TOK // NW
CHUNK = 80
NITER = B_PER_W // CHUNK
NBUF = 2


def _gather_sc(table, idx):
    mesh = plsc.VectorSubcoreMesh(core_axis_name="c", subcore_axis_name="s")

    @functools.partial(
        pl.kernel,
        mesh=mesh,
        out_type=jax.ShapeDtypeStruct((N_TOK, DM), jnp.float32),
        scratch_types=[
            pltpu.VMEM((B_PER_W,), jnp.int32),
            pltpu.VMEM((NBUF, CHUNK, DM), jnp.float32),
        ]
        + [pltpu.SemaphoreType.DMA] * NBUF,
    )
    def k(table_hbm, idx_hbm, out_hbm, idx_v, rows_v, *gsems):
        wid = lax.axis_index("s") * NC + lax.axis_index("c")
        base = wid * B_PER_W
        pltpu.sync_copy(idx_hbm.at[pl.ds(base, B_PER_W)], idx_v)

        def start_gather(i, buf):
            pltpu.async_copy(
                table_hbm.at[idx_v.at[pl.ds(i * CHUNK, CHUNK)]],
                rows_v.at[buf],
                gsems[buf],
            )

        def wait_gather(buf):
            pltpu.make_async_copy(
                table_hbm.at[idx_v.at[pl.ds(0, CHUNK)]],
                rows_v.at[buf],
                gsems[buf],
            ).wait()

        for b in range(NBUF):
            start_gather(b, b)

        def body(j, _):
            for b in range(NBUF):
                i = j * NBUF + b
                wait_gather(b)
                pltpu.sync_copy(
                    rows_v.at[b],
                    out_hbm.at[pl.ds(base + i * CHUNK, CHUNK)],
                )

                @pl.when(i + NBUF < NITER)
                def _():
                    start_gather(i + NBUF, b)
            return 0

        lax.fori_loop(0, NITER // NBUF, body, 0)

    return k(table, idx)


def kernel(x, word_vectors, W):
    proj = _project_table(word_vectors, W)
    flat = _gather_sc(proj, x.reshape(-1))
    return flat.reshape(B, L, DM)

# --- scband reference (transcript-rebuilt; emitter-appended) ---
"""Pipeline reference for scband-transformer-pre-trained-embedding-919123001447 (READ-ONLY COPY).

The authoritative reference and input builder live on the scoring server;
editing this copy changes nothing except your own understanding.
"""

import math
import jax, jax.numpy as jnp
import numpy as np

VOCAB = 100000
EMB_DIM = 300
D_MODEL = 512
B = 1024
L = 200


def setup_inputs(seed: int = 0) -> dict:
    key = jax.random.key(seed)
    k1, k2, k3 = jax.random.split(key, 3)
    x = jax.random.randint(k1, (B, L), 0, VOCAB, dtype=jnp.int32)
    # pretrained (frozen) word vectors: [VOCAB, EMB_DIM]
    word_vectors = jax.random.normal(k2, (VOCAB, EMB_DIM), dtype=jnp.float32)
    # nn.Linear(EMB_DIM, D_MODEL, bias=False) weight: [D_MODEL, EMB_DIM]
    bound = 1.0 / math.sqrt(EMB_DIM)
    W = jax.random.uniform(k3, (D_MODEL, EMB_DIM), dtype=jnp.float32, minval=-bound, maxval=bound)
    return {"x": x, "word_vectors": word_vectors, "W": W}


def reference(x, word_vectors, W):
    # emb lookup (gather): [B, L, EMB_DIM]
    e = jnp.take(word_vectors, x, axis=0)
    # linear projection without bias: e @ W.T -> [B, L, D_MODEL]
    y = jnp.einsum('ble,de->bld', e, W)
    return y * math.sqrt(D_MODEL)

if __name__ == "__main__":
    import jax
    _d = setup_inputs()
    print(jax.jit(kernel)(*tuple(_d.values())))

</pallas_src>

<mosaic_0001>
#map = affine_map<(d0, d1) -> (0, 0)>
#map1 = affine_map<(d0, d1) -> (0)>
module attributes {stable_mosaic.version = 14 : i64} {
  func.func @k(%arg0: i32, %arg1: i32, %arg2: memref<100000x512xf32, #tpu.memory_space<hbm>>, %arg3: memref<204800xi32, #tpu.memory_space<hbm>>, %arg4: memref<204800x512xf32, #tpu.memory_space<hbm>>, %arg5: memref<6400xi32, #tpu.memory_space<vmem>>, %arg6: memref<2x80x512xf32, #tpu.memory_space<vmem>>, %arg7: memref<!tpu.dma_semaphore, #tpu.memory_space<semaphore_mem>>, %arg8: memref<!tpu.dma_semaphore, #tpu.memory_space<semaphore_mem>>) attributes {dimension_semantics = [#tpu.dimension_semantics<core_parallel>, #tpu.dimension_semantics<subcore_parallel>], iteration_bounds = array<i64: 2, 16>, scalar_prefetch = 0 : i64, scratch_operands = 4 : i64, tpu.core_type = #tpu.core_type<sc_vector_subcore>, window_params = [{transform_indices = #map}, {transform_indices = #map1}, {transform_indices = #map}]} {
    %mul3A = arith.constant 2 : i32
    %mul3A_0 = arith.muli %arg1, %mul3A : i32
    %add3A = arith.addi %mul3A_0, %arg0 : i32
    %mul3A_1 = arith.constant 6400 : i32
    %mul3A_2 = arith.muli %add3A, %mul3A_1 : i32
    "tpu.region"() ({
      %run_scoped3A = tpu.sem_alloc : memref<!tpu.dma_semaphore, #tpu.memory_space<semaphore_mem>>
      %dma_start3A_28 = tpu.memref_slice %arg3[%mul3A_2] : memref<204800xi32, #tpu.memory_space<hbm>> -> memref<6400xi32, #tpu.memory_space<hbm>>
      %dma_start3A_29 = tpu.memref_slice %arg3[%mul3A_2] : memref<204800xi32, #tpu.memory_space<hbm>> -> memref<6400xi32, #tpu.memory_space<hbm>>
      tpu.enqueue_dma source(%dma_start3A_29 : memref<6400xi32, #tpu.memory_space<hbm>>) target(%arg5 : memref<6400xi32, #tpu.memory_space<vmem>>) target_semaphore(%run_scoped3A : memref<!tpu.dma_semaphore, #tpu.memory_space<semaphore_mem>>)
      %dma_wait3A = tpu.memref_slice %arg3[%mul3A_2] : memref<204800xi32, #tpu.memory_space<hbm>> -> memref<6400xi32, #tpu.memory_space<hbm>>
      %dma_wait3A_30 = tpu.memref_slice %arg3[%mul3A_2] : memref<204800xi32, #tpu.memory_space<hbm>> -> memref<6400xi32, #tpu.memory_space<hbm>>
      tpu.wait_dma2 semaphore(%run_scoped3A : memref<!tpu.dma_semaphore, #tpu.memory_space<semaphore_mem>>) src(%dma_wait3A_30 : memref<6400xi32, #tpu.memory_space<hbm>>) dst(%arg5 : memref<6400xi32, #tpu.memory_space<vmem>>)
      tpu.yield
    }) : () -> ()
    %dma_start3A = arith.constant 0 : i32
    %dma_start3A_3 = arith.constant 0 : i32
    %dma_start3A_4 = arith.constant 0 : i32
    %dma_start3A_5 = tpu.memref_slice %arg6[%dma_start3A, %dma_start3A_3, %dma_start3A_4] : memref<2x80x512xf32, #tpu.memory_space<vmem>> -> memref<1x80x512xf32, #tpu.memory_space<vmem>>
    %dma_start3A_6 = tpu.memref_squeeze %dma_start3A_5 : memref<1x80x512xf32, #tpu.memory_space<vmem>> -> memref<80x512xf32, #tpu.memory_space<vmem>>
    %dma_start3A_7 = arith.constant 0 : i32
    %dma_start3A_8 = tpu.memref_slice %arg5[%dma_start3A_7] : memref<6400xi32, #tpu.memory_space<vmem>> -> memref<80xi32, #tpu.memory_space<vmem>>
    %dma_start3A_9 = arith.constant 0 : i32
    %dma_start3A_10 = arith.constant 0 : i32
    %dma_start3A_11 = tpu.memref_slice %arg2[%dma_start3A_9, %dma_start3A_10] : memref<100000x512xf32, #tpu.memory_space<hbm>> -> memref<100000x512xf32, #tpu.memory_space<hbm>>
    tpu.enqueue_indirect_dma source(%dma_start3A_11 : memref<100000x512xf32, #tpu.memory_space<hbm>>) target(%dma_start3A_6 : memref<80x512xf32, #tpu.memory_space<vmem>>) offsets(%dma_start3A_8 : memref<80xi32, #tpu.memory_space<vmem>>) semaphore(%arg7 : memref<!tpu.dma_semaphore, #tpu.memory_space<semaphore_mem>>)
    %dma_start3A_12 = arith.constant 1 : i32
    %dma_start3A_13 = arith.constant 0 : i32
    %dma_start3A_14 = arith.constant 0 : i32
    %dma_start3A_15 = tpu.memref_slice %arg6[%dma_start3A_12, %dma_start3A_13, %dma_start3A_14] : memref<2x80x512xf32, #tpu.memory_space<vmem>> -> memref<1x80x512xf32, #tpu.memory_space<vmem>>
    %dma_start3A_16 = tpu.memref_squeeze %dma_start3A_15 : memref<1x80x512xf32, #tpu.memory_space<vmem>> -> memref<80x512xf32, #tpu.memory_space<vmem>>
    %dma_start3A_17 = arith.constant 80 : i32
    %dma_start3A_18 = tpu.memref_slice %arg5[%dma_start3A_17] : memref<6400xi32, #tpu.memory_space<vmem>> -> memref<80xi32, #tpu.memory_space<vmem>>
    %dma_start3A_19 = arith.constant 0 : i32
    %dma_start3A_20 = arith.constant 0 : i32
    %dma_start3A_21 = tpu.memref_slice %arg2[%dma_start3A_19, %dma_start3A_20] : memref<100000x512xf32, #tpu.memory_space<hbm>> -> memref<100000x512xf32, #tpu.memory_space<hbm>>
    tpu.enqueue_indirect_dma source(%dma_start3A_21 : memref<100000x512xf32, #tpu.memory_space<hbm>>) target(%dma_start3A_16 : memref<80x512xf32, #tpu.memory_space<vmem>>) offsets(%dma_start3A_18 : memref<80xi32, #tpu.memory_space<vmem>>) semaphore(%arg8 : memref<!tpu.dma_semaphore, #tpu.memory_space<semaphore_mem>>)
    %scan3A = arith.constant 0 : i32
    %scan3A_22 = arith.constant 0 : i32
    %scan3A_23 = arith.constant 40 : i32
    %scan3A_24 = arith.addi %scan3A_22, %scan3A_23 : i32
    %scan3A_25 = arith.constant 1 : i32
    %scan3A_26 = scf.for %scan3A_28 = %scan3A_22 to %scan3A_24 step %scan3A_25 iter_args(%scan3A_29 = %scan3A) -> (i32)  : i32 {
      %mul3A_30 = arith.constant 2 : i32
      %mul3A_31 = arith.muli %scan3A_28, %mul3A_30 : i32
      %add3A_32 = arith.constant 0 : i32
      %add3A_33 = arith.addi %mul3A_31, %add3A_32 : i32
      %dma_wait3A = arith.constant 0 : i32
      %dma_wait3A_34 = arith.constant 0 : i32
      %dma_wait3A_35 = arith.constant 0 : i32
      %dma_wait3A_36 = tpu.memref_slice %arg6[%dma_wait3A, %dma_wait3A_34, %dma_wait3A_35] : memref<2x80x512xf32, #tpu.memory_space<vmem>> -> memref<1x80x512xf32, #tpu.memory_space<vmem>>
      %dma_wait3A_37 = tpu.memref_squeeze %dma_wait3A_36 : memref<1x80x512xf32, #tpu.memory_space<vmem>> -> memref<80x512xf32, #tpu.memory_space<vmem>>
      %dma_wait3A_38 = arith.constant 0 : i32
      %dma_wait3A_39 = tpu.memref_slice %arg5[%dma_wait3A_38] : memref<6400xi32, #tpu.memory_space<vmem>> -> memref<80xi32, #tpu.memory_space<vmem>>
      %dma_wait3A_40 = arith.constant 0 : i32
      %dma_wait3A_41 = arith.constant 0 : i32
      %dma_wait3A_42 = tpu.memref_slice %arg2[%dma_wait3A_40, %dma_wait3A_41] : memref<100000x512xf32, #tpu.memory_space<hbm>> -> memref<100000x512xf32, #tpu.memory_space<hbm>>
      tpu.wait_indirect_dma semaphore(%arg7 : memref<!tpu.dma_semaphore, #tpu.memory_space<semaphore_mem>>) src(%dma_wait3A_42 : memref<100000x512xf32, #tpu.memory_space<hbm>>) dst(%dma_wait3A_37 : memref<80x512xf32, #tpu.memory_space<vmem>>)
      %mul3A_43 = arith.constant 80 : i32
      %mul3A_44 = arith.muli %add3A_33, %mul3A_43 : i32
      %add3A_45 = arith.addi %mul3A_2, %mul3A_44 : i32
      %run_scoped3A = arith.constant 0 : i32
      "tpu.region"() ({
        %run_scoped3A_76 = tpu.sem_alloc : memref<!tpu.dma_semaphore, #tpu.memory_space<semaphore_mem>>
        %dma_start3A_77 = arith.constant 0 : i32
        %dma_start3A_78 = arith.constant 0 : i32
        %dma_start3A_79 = tpu.memref_slice %arg6[%run_scoped3A, %dma_start3A_77, %dma_start3A_78] : memref<2x80x512xf32, #tpu.memory_space<vmem>> -> memref<1x80x512xf32, #tpu.memory_space<vmem>>
        %dma_start3A_80 = tpu.memref_squeeze %dma_start3A_79 : memref<1x80x512xf32, #tpu.memory_space<vmem>> -> memref<80x512xf32, #tpu.memory_space<vmem>>
        %dma_start3A_81 = arith.constant 0 : i32
        %dma_start3A_82 = tpu.memref_slice %arg4[%add3A_45, %dma_start3A_81] : memref<204800x512xf32, #tpu.memory_space<hbm>> -> memref<80x512xf32, #tpu.memory_space<hbm>>
        %dma_start3A_83 = arith.constant 0 : i32
        %dma_start3A_84 = tpu.memref_slice %arg4[%add3A_45, %dma_start3A_83] : memref<204800x512xf32, #tpu.memory_space<hbm>> -> memref<80x512xf32, #tpu.memory_space<hbm>>
        %dma_start3A_85 = arith.constant 0 : i32
        %dma_start3A_86 = arith.constant 0 : i32
        %dma_start3A_87 = tpu.memref_slice %arg6[%run_scoped3A, %dma_start3A_85, %dma_start3A_86] : memref<2x80x512xf32, #tpu.memory_space<vmem>> -> memref<1x80x512xf32, #tpu.memory_space<vmem>>
        %dma_start3A_88 = tpu.memref_squeeze %dma_start3A_87 : memref<1x80x512xf32, #tpu.memory_space<vmem>> -> memref<80x512xf32, #tpu.memory_space<vmem>>
        tpu.enqueue_dma source(%dma_start3A_88 : memref<80x512xf32, #tpu.memory_space<vmem>>) target(%dma_start3A_84 : memref<80x512xf32, #tpu.memory_space<hbm>>) target_semaphore(%run_scoped3A_76 : memref<!tpu.dma_semaphore, #tpu.memory_space<semaphore_mem>>)
        %dma_wait3A_89 = arith.constant 0 : i32
        %dma_wait3A_90 = arith.constant 0 : i32
        %dma_wait3A_91 = tpu.memref_slice %arg6[%run_scoped3A, %dma_wait3A_89, %dma_wait3A_90] : memref<2x80x512xf32, #tpu.memory_space<vmem>> -> memref<1x80x512xf32, #tpu.memory_space<vmem>>
        %dma_wait3A_92 = tpu.memref_squeeze %dma_wait3A_91 : memref<1x80x512xf32, #tpu.memory_space<vmem>> -> memref<80x512xf32, #tpu.memory_space<vmem>>
        %dma_wait3A_93 = arith.constant 0 : i32
        %dma_wait3A_94 = tpu.memref_slice %arg4[%add3A_45, %dma_wait3A_93] : memref<204800x512xf32, #tpu.memory_space<hbm>> -> memref<80x512xf32, #tpu.memory_space<hbm>>
        %dma_wait3A_95 = arith.constant 0 : i32
        %dma_wait3A_96 = tpu.memref_slice %arg4[%add3A_45, %dma_wait3A_95] : memref<204800x512xf32, #tpu.memory_space<hbm>> -> memref<80x512xf32, #tpu.memory_space<hbm>>
        %dma_wait3A_97 = arith.constant 0 : i32
        %dma_wait3A_98 = arith.constant 0 : i32
        %dma_wait3A_99 = tpu.memref_slice %arg6[%run_scoped3A, %dma_wait3A_97, %dma_wait3A_98] : memref<2x80x512xf32, #tpu.memory_space<vmem>> -> memref<1x80x512xf32, #tpu.memory_space<vmem>>
        %dma_wait3A_100 = tpu.memref_squeeze %dma_wait3A_99 : memref<1x80x512xf32, #tpu.memory_space<vmem>> -> memref<80x512xf32, #tpu.memory_space<vmem>>
        tpu.wait_dma2 semaphore(%run_scoped3A_76 : memref<!tpu.dma_semaphore, #tpu.memory_space<semaphore_mem>>) src(%dma_wait3A_100 : memref<80x512xf32, #tpu.memory_space<vmem>>) dst(%dma_wait3A_96 : memref<80x512xf32, #tpu.memory_space<hbm>>)
        tpu.yield
      }) : () -> ()
      %add3A_46 = arith.constant 2 : i32
      %add3A_47 = arith.addi %add3A_33, %add3A_46 : i32
      %lt3A = arith.constant 80 : i32
      %lt3A_48 = arith.cmpi slt, %add3A_47, %lt3A : i32
      %convert_element_type3A = arith.extui %lt3A_48 : i1 to i32
      %cond3A = arith.constant 0 : i32
      %cond3A_49 = arith.cmpi ne, %convert_element_type3A, %cond3A : i32
      scf.if %cond3A_49 {
        %add3A_76 = arith.constant 2 : i32
        %add3A_77 = arith.addi %add3A_33, %add3A_76 : i32
        %mul3A_78 = arith.constant 80 : i32
        %mul3A_79 = arith.muli %add3A_77, %mul3A_78 : i32
        %dma_start3A_80 = arith.constant 0 : i32
        %dma_start3A_81 = arith.constant 0 : i32
        %dma_start3A_82 = arith.constant 0 : i32
        %dma_start3A_83 = tpu.memref_slice %arg6[%dma_start3A_80, %dma_start3A_81, %dma_start3A_82] : memref<2x80x512xf32, #tpu.memory_space<vmem>> -> memref<1x80x512xf32, #tpu.memory_space<vmem>>
        %dma_start3A_84 = tpu.memref_squeeze %dma_start3A_83 : memref<1x80x512xf32, #tpu.memory_space<vmem>> -> memref<80x512xf32, #tpu.memory_space<vmem>>
        %dma_start3A_85 = tpu.memref_slice %arg5[%mul3A_79] : memref<6400xi32, #tpu.memory_space<vmem>> -> memref<80xi32, #tpu.memory_space<vmem>>
        %dma_start3A_86 = arith.constant 0 : i32
        %dma_start3A_87 = arith.constant 0 : i32
        %dma_start3A_88 = tpu.memref_slice %arg2[%dma_start3A_86, %dma_start3A_87] : memref<100000x512xf32, #tpu.memory_space<hbm>> -> memref<100000x512xf32, #tpu.memory_space<hbm>>
        tpu.enqueue_indirect_dma source(%dma_start3A_88 : memref<100000x512xf32, #tpu.memory_space<hbm>>) target(%dma_start3A_84 : memref<80x512xf32, #tpu.memory_space<vmem>>) offsets(%dma_start3A_85 : memref<80xi32, #tpu.memory_space<vmem>>) semaphore(%arg7 : memref<!tpu.dma_semaphore, #tpu.memory_space<semaphore_mem>>)
      } else {
      }
      %mul3A_50 = arith.constant 2 : i32
      %mul3A_51 = arith.muli %scan3A_28, %mul3A_50 : i32
      %add3A_52 = arith.constant 1 : i32
      %add3A_53 = arith.addi %mul3A_51, %add3A_52 : i32
      %dma_wait3A_54 = arith.constant 1 : i32
      %dma_wait3A_55 = arith.constant 0 : i32
      %dma_wait3A_56 = arith.constant 0 : i32
      %dma_wait3A_57 = tpu.memref_slice %arg6[%dma_wait3A_54, %dma_wait3A_55, %dma_wait3A_56] : memref<2x80x512xf32, #tpu.memory_space<vmem>> -> memref<1x80x512xf32, #tpu.memory_space<vmem>>
      %dma_wait3A_58 = tpu.memref_squeeze %dma_wait3A_57 : memref<1x80x512xf32, #tpu.memory_space<vmem>> -> memref<80x512xf32, #tpu.memory_space<vmem>>
      %dma_wait3A_59 = arith.constant 0 : i32
      %dma_wait3A_60 = tpu.memref_slice %arg5[%dma_wait3A_59] : memref<6400xi32, #tpu.memory_space<vmem>> -> memref<80xi32, #tpu.memory_space<vmem>>
      %dma_wait3A_61 = arith.constant 0 : i32
      %dma_wait3A_62 = arith.constant 0 : i32
      %dma_wait3A_63 = tpu.memref_slice %arg2[%dma_wait3A_61, %dma_wait3A_62] : memref<100000x512xf32, #tpu.memory_space<hbm>> -> memref<100000x512xf32, #tpu.memory_space<hbm>>
      tpu.wait_indirect_dma semaphore(%arg8 : memref<!tpu.dma_semaphore, #tpu.memory_space<semaphore_mem>>) src(%dma_wait3A_63 : memref<100000x512xf32, #tpu.memory_space<hbm>>) dst(%dma_wait3A_58 : memref<80x512xf32, #tpu.memory_space<vmem>>)
      %mul3A_64 = arith.constant 80 : i32
      %mul3A_65 = arith.muli %add3A_53, %mul3A_64 : i32
      %add3A_66 = arith.addi %mul3A_2, %mul3A_65 : i32
      %run_scoped3A_67 = arith.constant 1 : i32
      "tpu.region"() ({
        %run_scoped3A_76 = tpu.sem_alloc : memref<!tpu.dma_semaphore, #tpu.memory_space<semaphore_mem>>
        %dma_start3A_77 = arith.constant 0 : i32
        %dma_start3A_78 = arith.constant 0 : i32
        %dma_start3A_79 = tpu.memref_slice %arg6[%run_scoped3A_67, %dma_start3A_77, %dma_start3A_78] : memref<2x80x512xf32, #tpu.memory_space<vmem>> -> memref<1x80x512xf32, #tpu.memory_space<vmem>>
        %dma_start3A_80 = tpu.memref_squeeze %dma_start3A_79 : memref<1x80x512xf32, #tpu.memory_space<vmem>> -> memref<80x512xf32, #tpu.memory_space<vmem>>
        %dma_start3A_81 = arith.constant 0 : i32
        %dma_start3A_82 = tpu.memref_slice %arg4[%add3A_66, %dma_start3A_81] : memref<204800x512xf32, #tpu.memory_space<hbm>> -> memref<80x512xf32, #tpu.memory_space<hbm>>
        %dma_start3A_83 = arith.constant 0 : i32
        %dma_start3A_84 = tpu.memref_slice %arg4[%add3A_66, %dma_start3A_83] : memref<204800x512xf32, #tpu.memory_space<hbm>> -> memref<80x512xf32, #tpu.memory_space<hbm>>
        %dma_start3A_85 = arith.constant 0 : i32
        %dma_start3A_86 = arith.constant 0 : i32
        %dma_start3A_87 = tpu.memref_slice %arg6[%run_scoped3A_67, %dma_start3A_85, %dma_start3A_86] : memref<2x80x512xf32, #tpu.memory_space<vmem>> -> memref<1x80x512xf32, #tpu.memory_space<vmem>>
        %dma_start3A_88 = tpu.memref_squeeze %dma_start3A_87 : memref<1x80x512xf32, #tpu.memory_space<vmem>> -> memref<80x512xf32, #tpu.memory_space<vmem>>
        tpu.enqueue_dma source(%dma_start3A_88 : memref<80x512xf32, #tpu.memory_space<vmem>>) target(%dma_start3A_84 : memref<80x512xf32, #tpu.memory_space<hbm>>) target_semaphore(%run_scoped3A_76 : memref<!tpu.dma_semaphore, #tpu.memory_space<semaphore_mem>>)
        %dma_wait3A_89 = arith.constant 0 : i32
        %dma_wait3A_90 = arith.constant 0 : i32
        %dma_wait3A_91 = tpu.memref_slice %arg6[%run_scoped3A_67, %dma_wait3A_89, %dma_wait3A_90] : memref<2x80x512xf32, #tpu.memory_space<vmem>> -> memref<1x80x512xf32, #tpu.memory_space<vmem>>
        %dma_wait3A_92 = tpu.memref_squeeze %dma_wait3A_91 : memref<1x80x512xf32, #tpu.memory_space<vmem>> -> memref<80x512xf32, #tpu.memory_space<vmem>>
        %dma_wait3A_93 = arith.constant 0 : i32
        %dma_wait3A_94 = tpu.memref_slice %arg4[%add3A_66, %dma_wait3A_93] : memref<204800x512xf32, #tpu.memory_space<hbm>> -> memref<80x512xf32, #tpu.memory_space<hbm>>
        %dma_wait3A_95 = arith.constant 0 : i32
        %dma_wait3A_96 = tpu.memref_slice %arg4[%add3A_66, %dma_wait3A_95] : memref<204800x512xf32, #tpu.memory_space<hbm>> -> memref<80x512xf32, #tpu.memory_space<hbm>>
        %dma_wait3A_97 = arith.constant 0 : i32
        %dma_wait3A_98 = arith.constant 0 : i32
        %dma_wait3A_99 = tpu.memref_slice %arg6[%run_scoped3A_67, %dma_wait3A_97, %dma_wait3A_98] : memref<2x80x512xf32, #tpu.memory_space<vmem>> -> memref<1x80x512xf32, #tpu.memory_space<vmem>>
        %dma_wait3A_100 = tpu.memref_squeeze %dma_wait3A_99 : memref<1x80x512xf32, #tpu.memory_space<vmem>> -> memref<80x512xf32, #tpu.memory_space<vmem>>
        tpu.wait_dma2 semaphore(%run_scoped3A_76 : memref<!tpu.dma_semaphore, #tpu.memory_space<semaphore_mem>>) src(%dma_wait3A_100 : memref<80x512xf32, #tpu.memory_space<vmem>>) dst(%dma_wait3A_96 : memref<80x512xf32, #tpu.memory_space<hbm>>)
        tpu.yield
      }) : () -> ()
      %add3A_68 = arith.constant 2 : i32
      %add3A_69 = arith.addi %add3A_53, %add3A_68 : i32
      %lt3A_70 = arith.constant 80 : i32
      %lt3A_71 = arith.cmpi slt, %add3A_69, %lt3A_70 : i32
      %convert_element_type3A_72 = arith.extui %lt3A_71 : i1 to i32
      %cond3A_73 = arith.constant 0 : i32
      %cond3A_74 = arith.cmpi ne, %convert_element_type3A_72, %cond3A_73 : i32
      scf.if %cond3A_74 {
        %add3A_76 = arith.constant 2 : i32
        %add3A_77 = arith.addi %add3A_53, %add3A_76 : i32
        %mul3A_78 = arith.constant 80 : i32
        %mul3A_79 = arith.muli %add3A_77, %mul3A_78 : i32
        %dma_start3A_80 = arith.constant 1 : i32
        %dma_start3A_81 = arith.constant 0 : i32
        %dma_start3A_82 = arith.constant 0 : i32
        %dma_start3A_83 = tpu.memref_slice %arg6[%dma_start3A_80, %dma_start3A_81, %dma_start3A_82] : memref<2x80x512xf32, #tpu.memory_space<vmem>> -> memref<1x80x512xf32, #tpu.memory_space<vmem>>
        %dma_start3A_84 = tpu.memref_squeeze %dma_start3A_83 : memref<1x80x512xf32, #tpu.memory_space<vmem>> -> memref<80x512xf32, #tpu.memory_space<vmem>>
        %dma_start3A_85 = tpu.memref_slice %arg5[%mul3A_79] : memref<6400xi32, #tpu.memory_space<vmem>> -> memref<80xi32, #tpu.memory_space<vmem>>
        %dma_start3A_86 = arith.constant 0 : i32
        %dma_start3A_87 = arith.constant 0 : i32
        %dma_start3A_88 = tpu.memref_slice %arg2[%dma_start3A_86, %dma_start3A_87] : memref<100000x512xf32, #tpu.memory_space<hbm>> -> memref<100000x512xf32, #tpu.memory_space<hbm>>
        tpu.enqueue_indirect_dma source(%dma_start3A_88 : memref<100000x512xf32, #tpu.memory_space<hbm>>) target(%dma_start3A_84 : memref<80x512xf32, #tpu.memory_space<vmem>>) offsets(%dma_start3A_85 : memref<80xi32, #tpu.memory_space<vmem>>) semaphore(%arg8 : memref<!tpu.dma_semaphore, #tpu.memory_space<semaphore_mem>>)
      } else {
      }
      %scan3A_75 = arith.constant 0 : i32
      scf.yield %scan3A_75 : i32
    }
    %scan3A_27 = arith.constant 40 : i32
    return
  }
}

module attributes {stable_mosaic.version = 14 : i64} {
  func.func @_proj_body(%arg0: i32, %arg1: memref<300x4096xf32, #tpu.memory_space<vmem>>, %arg2: memref<512x300xf32, #tpu.memory_space<vmem>>, %arg3: memref<4096x512xf32, #tpu.memory_space<vmem>>) attributes {dimension_semantics = [#tpu.dimension_semantics<arbitrary>], iteration_bounds = array<i64: 25>, scalar_prefetch = 0 : i64, scratch_operands = 0 : i64, tpu.core_type = #tpu.core_type<tc>, window_params = [{transform_indices = @transform_0, window_bounds = array<i64: 300, 4096>}, {pipeline_mode = #tpu.pipeline_mode<synchronous>, transform_indices = @transform_1, window_bounds = array<i64: 512, 300>}, {transform_indices = @transform_2, window_bounds = array<i64: 4096, 512>}]} {
    %get3A = arith.constant 0 : index
    %get3A_0 = arith.constant 0 : index
    %get3A_1 = vector.load %arg1[%get3A, %get3A_0] : memref<300x4096xf32, #tpu.memory_space<vmem>>, vector<300x4096xf32>
    %get3A_2 = arith.constant 0 : index
    %get3A_3 = arith.constant 0 : index
    %get3A_4 = vector.load %arg2[%get3A_2, %get3A_3] : memref<512x300xf32, #tpu.memory_space<vmem>>, vector<512x300xf32>
    %dot_general3A = arith.constant dense<0.000000e+00> : vector<4096x512xf32>
    %dot_general3A_5 = tpu.matmul %get3A_1, %get3A_4, %dot_general3A {dimension_numbers = #tpu.dot_dimension_numbers<[0], [1], [1], [0], [0, 1, 1, 0], [], []>, transpose_lhs_hint = false} : vector<300x4096xf32>, vector<512x300xf32>, vector<4096x512xf32> -> vector<4096x512xf32>
    %mul3A = arith.constant 22.6274166 : f32
    %mul3A_6 = vector.broadcast %mul3A : f32 to vector<4096x512xf32>
    %mul3A_7 = arith.mulf %dot_general3A_5, %mul3A_6 : vector<4096x512xf32>
    %swap3A = arith.constant 0 : index
    %swap3A_8 = arith.constant 0 : index
    %swap3A_9 = vector.load %arg3[%swap3A, %swap3A_8] : memref<4096x512xf32, #tpu.memory_space<vmem>>, vector<4096x512xf32>
    tpu.vector_store %arg3[%swap3A, %swap3A_8], %mul3A_7 {strides = array<i32>} : memref<4096x512xf32, #tpu.memory_space<vmem>>, vector<4096x512xf32>,
    return
  }
  func.func @transform_0(%arg0: i32) -> (i32, i32) {
    %c0_i32 = arith.constant 0 : i32
    %c0_i32_0 = arith.constant 0 : i32
    return %c0_i32, %arg0 : i32, i32
  }
  func.func @transform_1(%arg0: i32) -> (i32, i32) {
    %c0_i32 = arith.constant 0 : i32
    %c0_i32_0 = arith.constant 0 : i32
    %c0_i32_1 = arith.constant 0 : i32
    return %c0_i32, %c0_i32_0 : i32, i32
  }
  func.func @transform_2(%arg0: i32) -> (i32, i32) {
    %c0_i32 = arith.constant 0 : i32
    %c0_i32_0 = arith.constant 0 : i32
    return %arg0, %c0_i32 : i32, i32
  }
}

</mosaic_0001>

<sc_bundles>
// kernel: kernel.4.cloned.1.call-start
scs
__scs_entry_jumppad:
0x0: {  	(pc) =	sbr.rel $0x88, $3  }
0x1: {  	(tag) =	ssettag $0x0;
	lr =	simm.s32 $0x1  }
0x2: {  	[smem:$0x3F9E] =	sst lr;
	_ =	strace $0xD0000000  }
0x3: {  	_ = 	snop  }
0x4: {  	_ = 	snop  }
0x5: {  	_ = 	snop  }
0x6: {  	_ = 	snop  }
0x7: {  	_ = 	snop  }
__scs_overlays_trampoline_lowered:
0x8: {  	[smem:$0x3FAD] =	sst s0  }
0x9: {  	[smem:$0x3FAE] =	sst s1  }
0xa: {  	[smem:$0x3FAF] =	sst s2  }
0xb: {  	[smem:$0x3FB0] =	sst s3  }
0xc: {  	[smem:$0x3FB1] =	sst s4  }
0xd: {  	[smem:$0x3FB2] =	sst s5  }
0xe: {  	[smem:$0x3FB3] =	sst s6  }
0xf: {  	[smem:$0x3FB4] =	sst s7  }
0x10: {  	[smem:$0x3FB5] =	sst s8  }
0x11: {  	[smem:$0x3FB6] =	sst s9;
	s0 =	simm.s32 @!p0 $0x0  }
0x12: {  	s1 =	sld [smem:$0x3F9C];
	s0 =	simm.s32 @p0 $0x1  }
0x13: {  	[smem:$0x3FB7] =	sst s0;
	s0 =	simm.s32 @!p1 $0x0  }
0x14: {  	s2 =	sld [smem:$0x3F9B];
	s0 =	simm.s32 @p1 $0x1  }
0x15: {  	[smem:$0x3FB8] =	sst s0;
	s0 =	simm.s32 @!p2 $0x0  }
0x16: {  	s3 =	sld [smem:$0x3FDB];
	s0 =	simm.s32 @p2 $0x1  }
0x17: {  	s4 =	simm.s32 $0x1BF5;
	[smem:$0x3FBA] =	sst s0  }
0x18: {  	s0 =	sld [smem:$0x3F9D];
	_ =	swait.ge [sflag:s4], $0x0  }
0x19: {  	s7 =	sld [smem:$0x3F9E]  }
0x1a: {  	s8 =	sadd.s32 $0xFFFFE003, lr  }
0x1b: {  	s9 =	sadd.s32 $0xFFFFFEF7, lr;
	s5 =	simm.s32 $0xFFFFFFFF;
	p2 =	slt.u32 s8, $0xFFFFF086  }
0x1c: {  	p1 =	slt.u32 s9, $0xF7A;
	s5 =	simm.s32 @!p2 $0x0  }
0x1d: {  	s5 =	simm.s32 @p1 $0x1;
	p0 =	seq.s32 s7, s2  }
0x1e: {  	s7 =	smul.u32 @!p0 $0xF7A, s2;
	p2 =	seq.s32 @!p0 s5, $0x0  }
0x1f: {  	s9 =	smul.u32 $0xF7A, s1;
	s8 =	simm.s32 @!p0 $0x1BF5;
	p2 =	por !p2, p0  }
0x20: {  	[sflag:s8] =	ssyncset.s32 @!p0 $0xFFFFF086;
	s6 =	sadd.s32 @!p0 s3, s7;
	s7 =	simm.s32 @!p0 $0x108  }
0x21: {  	s3 =	sadd.s32 s3, s9;
	s6 =	sadd.s32 @!p0 $0x88, s6;
	s7 =	simm.s32 @p2 $0x1082  }
0x22: {  	[simem:s7], [sflag:s8] =	dma.local @!p0 [hbm:s6], $0xF7A  }
0x23: {  	s9 =	sor.u32 $0xD0000000, s2;
	s6 =	simm.s32 $0x108;
	_ =	swait.ge @!p0 [sflag:s8], $0x0  }
0x24: {  	s3 =	sadd.s32 $0x88, s3;
	s6 =	simm.s32 @!p1 $0x1082;
	[sflag:s4] =	ssyncset.s32 $0xFFFFF086  }
0x25: {  	[simem:s6], [sflag:s4] =	dma.local [hbm:s3], $0xF7A  }
0x26: {  	[smem:$0x3F9E] =	sst s1;
	(tag) =	ssettag s2;
	_ =	strace s9  }
0x27: {  	s1 =	sld [smem:$0x3FAE]  }
0x28: {  	s2 =	sld [smem:$0x3FAF]  }
0x29: {  	s4 =	sld [smem:$0x3FB1]  }
0x2a: {  	p0 =	seq.s32 s5, $0x0;
	s5 =	sld [smem:$0x3FB2]  }
0x2b: {  	s6 =	sld [smem:$0x3FB3]  }
0x2c: {  	s7 =	sld [smem:$0x3FB4]  }
0x2d: {  	s3 =	simm.s32 $0x108;
	s8 =	sld [smem:$0x3FB5]  }
0x2e: {  	s3 =	simm.s32 @!p0 $0x1082;
	s9 =	sld [smem:$0x3FB6]  }
0x2f: {  	lr =	sadd.s32 s0, s3;
	s0 =	sld [smem:$0x3FAD]  }
0x30: {  	s3 =	sld [smem:$0x3FB0]  }
0x31: {  	[smem:$0x3FB9] =	sst s10  }
0x32: {  	s10 =	sld [smem:$0x3FB7];
	_ =	sdelay $0x3  }
0x33: {  	p0 =	seq.s32 s10, $0x1;
	s10 =	sld [smem:$0x3FB9];
	_ =	sdelay $0x3  }
0x34: {  	[smem:$0x3FB9] =	sst s10  }
0x35: {  	s10 =	sld [smem:$0x3FB8];
	_ =	sdelay $0x3  }
0x36: {  	p1 =	seq.s32 s10, $0x1;
	s10 =	sld [smem:$0x3FB9];
	_ =	sdelay $0x3  }
0x37: {  	[smem:$0x3FB9] =	sst s10  }
0x38: {  	s10 =	sld [smem:$0x3FBA]  }
0x39: {  	_ = 	snop;
	(pc) =	sbr.ind lr, $3  }
0x3a: {  	_ = 	snop  }
0x3b: {  	_ = 	snop  }
0x3c: {  	p2 =	seq.s32 s10, $0x1;
	s10 =	sld [smem:$0x3FB9]  }
0x3d: {  	_ =	shalt  }
0x3e: {  	_ =	shalt  }
0x3f: {  	_ =	shalt  }
0x40: {  	_ =	shalt  }
0x41: {  	_ =	shalt  }
0x42: {  	_ =	shalt  }
0x43: {  	_ =	shalt  }
0x44: {  	_ =	shalt  }
0x45: {  	_ =	shalt  }
0x46: {  	_ =	shalt  }
0x47: {  	_ =	shalt  }
0x48: {  	_ =	shalt  }
0x49: {  	_ =	shalt  }
0x4a: {  	_ =	shalt  }
0x4b: {  	_ =	shalt  }
0x4c: {  	_ =	shalt  }
0x4d: {  	_ =	shalt  }
0x4e: {  	_ =	shalt  }
0x4f: {  	_ =	shalt  }
0x50: {  	_ =	shalt  }
0x51: {  	_ =	shalt  }
0x52: {  	_ =	shalt  }
0x53: {  	_ =	shalt  }
0x54: {  	_ =	shalt  }
0x55: {  	_ =	shalt  }
0x56: {  	_ =	shalt  }
0x57: {  	_ =	shalt  }
0x58: {  	_ =	shalt  }
0x59: {  	_ =	shalt  }
0x5a: {  	_ =	shalt  }
0x5b: {  	_ =	shalt  }
0x5c: {  	_ =	shalt  }
0x5d: {  	_ =	shalt  }
0x5e: {  	_ =	shalt  }
0x5f: {  	_ =	shalt  }
0x60: {  	_ =	shalt  }
0x61: {  	_ =	shalt  }
0x62: {  	_ =	shalt  }
0x63: {  	_ =	shalt  }
0x64: {  	_ =	shalt  }
0x65: {  	_ =	shalt  }
0x66: {  	_ =	shalt  }
0x67: {  	_ =	shalt  }
0x68: {  	_ =	shalt  }
0x69: {  	_ =	shalt  }
0x6a: {  	_ =	shalt  }
0x6b: {  	_ =	shalt  }
0x6c: {  	_ =	shalt  }
0x6d: {  	_ =	shalt  }
0x6e: {  	_ =	shalt  }
0x6f: {  	_ =	shalt  }
0x70: {  	_ =	shalt  }
0x71: {  	_ =	shalt  }
0x72: {  	_ =	shalt  }
0x73: {  	_ =	shalt  }
0x74: {  	_ =	shalt  }
0x75: {  	_ =	shalt  }
0x76: {  	_ =	shalt  }
0x77: {  	_ =	shalt  }
0x78: {  	_ =	shalt  }
0x79: {  	_ =	shalt  }
0x7a: {  	_ =	shalt  }
0x7b: {  	_ =	shalt  }
0x7c: {  	_ =	shalt  }
0x7d: {  	_ =	shalt  }
0x7e: {  	_ =	shalt  }
0x7f: {  	_ =	shalt  }
0x80: {  	_ =	shalt  }
0x81: {  	_ =	shalt  }
0x82: {  	_ =	shalt  }
0x83: {  	_ =	shalt  }
0x84: {  	_ =	shalt  }
0x85: {  	_ =	shalt  }
0x86: {  	_ =	shalt  }
0x87: {  	_ =	shalt  }
.Lfunc_end0:
.L_simem_size_0:
called_computation_lowered:
.L_overlay_start_0:
0x88: {  	s2 =	sld [smem:$0x3FD9]  }
0x89: {  	s3 =	sld [smem:$0x3FFE];
	_ =	sdelay $0x1  }
0x8a: {  	s1 =	srdreg.scid  }
0x8b: {  	s0 =	sand.u32 $0x1, s1  }
0x8c: {  	s17 =	sshll.u32 s0, $0xA;
	s2 =	sadd.s32 s3, s2  }
0x8d: {  	s2 =	sadd.s32 s2, s17  }
0x8e: {  	[smem:$0x3FC5] =	sst s2  }
0x8f: {  	_ = 	snop  }
0x90: {  	s2 =	sld [smem:$0x3FD0];
	(tm) =	ssettm $0x1  }
0x91: {  	s18 =	sld [smem:$0x3FFB];
	_ =	sdelay $0x3  }
0x92: {  	_ =	strace s18  }
0x93: {  	s3 =	sld [smem:$0x3FFC];
	_ =	sdelay $0x3  }
0x94: {  	_ =	strace s3  }
0x95: {  	s3 =	sld [smem:$0x3FFD];
	_ =	sdelay $0x3  }
0x96: {  	_ =	strace s3  }
0x97: {  	_ =	strace $0x8FFFFFFF  }
0x98: {  	s19 =	sld [smem:$0x3FDB];
	_ =	sdelay $0x1  }
0x99: {  	s4 =	simm.s32 $_scs_section_size  }
0x9a: {  	s5 =	simm.s32 $_size__tile_overlayer_lowered;
	s6 =	simm.s32 $_tile_overlayer_lowered  }
0x9b: {  	s22 =	simm.s32 $0x1BFF;
	s21 =	sshll.u32 s6, $0x1;
	s3 =	sadd.s32 s4, s19  }
0x9c: {  	s7 =	simm.s32 $0x0;
	s20 =	sshll.u32 s5, $0x1;
	s5 =	sadd.s32 s21, s3  }
0x9d: {  	[timem:s7], [sflag:s22] =	dma.local [hbm:s5], s20  }
0x9e: {  	_ =	swait.ge [sflag:s22], s20  }
0x9f: {  	s4 =	ssub.s32 $0x0, s20;
	[sflag:s22] =	ssyncset.done $0x0  }
0xa0: {  	[sflag:s22] =	ssyncadd.s32 s4;
	_ =	sdelay $0x1  }
0xa1: {  	s23 =	simm.s32 $0x1B8B  }
0xa2: {  	_ =	swait.ge [sflag:s23], $0x1  }
0xa3: {  	[sflag:s23] =	ssyncset.done $0x0  }
0xa4: {  	s25 =	simm.s32 $0x1B8E;
	s24 =	sld [smem:$0x3FFE];
	[sflag:s23] =	ssyncadd.s32 $0xFFFFFFFF  }
0xa5: {  	s26 =	simm.s32 $execute0_lowered;
	[smem:$0x3FD2] =	sst s25  }
0xa6: {  	s5 =	sshll.u32 s26, $0x1;
	_ =	strace $0x80000046;
	[dreg:$0x1] =	wrdreg $0xFFFFFFFF  }
0xa7: {  	s28 =	simm.s32 $_size_execute0_lowered;
	s3 =	sadd.s32 s3, s5;
	[dreg:$0x0] =	wrdreg $0x0  }
0xa8: {  	s5 =	sshll.u32 s28, $0x1;
	[dreg:$0x2] =	wrdreg s3  }
0xa9: {  	[dreg:$0x3] =	wrdreg s5  }
0xaa: {  	[dreg:$0x4] =	wrdreg $0xC0  }
0xab: {  	_ =	task [dreg:s7], $0x5FFFF  }
0xac: {  	[dreg:$0x1] =	wrdreg $0xFFFFFFFF  }
0xad: {  	[dreg:$0x0] =	wrdreg $0x60  }
0xae: {  	[dreg:$0x2] =	wrdreg s24  }
0xaf: {  	[dreg:$0x3] =	wrdreg s2  }
0xb0: {  	[dreg:$0x4] =	wrdreg $0x9  }
0xb1: {  	_ =	task.clear_ibuf [dreg:s7], $0x5FFFF;
	_ =	strace $0x90000046  }
0xb2: {  	s29 =	simm.s32 $0x9;
	_ =	strace $0x80000048  }
0xb3: {  	_ =	swait.ge [sflag:s29], $0x1  }
0xb4: {  	[sflag:s29] =	ssyncadd.s32 $0xFFFFFFFF  }
0xb5: {  	_ =	strace $0x90000048  }
0xb6: {  	_ =	sfence  }
0xb7: {  	s30 =	sld [smem:$0x0];
	_ =	sdelay $0x2  }
0xb8: {  	s31 =	sshll.u32 s1, $0xD;
	s1 =	sshrl.u32 s1, $0x2  }
0xb9: {  	s3 =	sand.u32 $0x4000, s31;
	s1 =	sadd.s32 s1, s30  }
0xba: {  	s0 =	sor.u32 s3, s0;
	s1 =	sshll.u32 s1, $0x11  }
0xbb: {  	s0 =	sor.u32 s1, s0  }
0xbc: {  	s0 =	sadd.s32 $0x8F2B, s0  }
0xbd: {  	[sflag:s0] =	ssyncadd.remote.s32 $0x1  }
0xbe: {  	_ =	sfence.sel $0xFFFF  }
0xbf: {  	[dreg:$0x0] =	wrdreg $0xFFFFFFFF;
	(pc) =	sbr.abs _section_cstart, $3  }
0xc0: {  	[dreg:$0x1] =	wrdreg $0xFFFFFFFF  }
0xc1: {  	_ =	task.clear_ibuf [dreg:s7], $0x2FFFF;
	_ =	strace $0x9FFFFFFF  }
0xc2: {  	(tm) =	ssettm $0x7FFFFFFF  }
0xc3: {  	_ =	shalt  }
tec
execute0_lowered:
.L_overlay_start_1:
0x0: {  	(tag) =	ssettag $0x1  }
0x1: {  	s0 =	rddreg [dreg:$0x0];
	s1 =	srdreg.scid  }
0x2: {  	s8 =	stileid.u32;
	s4 =	rddreg [dreg:$0x1]  }
0x3: {  	s2 =	simm.s32 $0x0;
	s9 =	simm.s32 $0x1900;
	s30 =	simm.s32 $0xB900  }
0x4: {  	s31 =	simm.s32 $0xC100;
	s10 =	simm.s32 $0xE900;
	s11 =	simm.s32 $0xF100  }
0x5: {  	s12 =	simm.s32 $0xF900;
	s13 =	simm.s32 $0x10100;
	s14 =	simm.s32 $0x10900  }
0x6: {  	s15 =	simm.s32 $0x11100;
	s16 =	simm.s32 $0x11900;
	s17 =	simm.s32 $0x12100  }
0x7: {  	s18 =	simm.s32 $0x12900;
	s19 =	simm.s32 $0x13100;
	s20 =	simm.s32 $0x13900  }
0x8: {  	s21 =	simm.s32 $0x14100;
	s22 =	simm.s32 $0x14900;
	s23 =	simm.s32 $0x15100  }
0x9: {  	s24 =	simm.s32 $0x1;
	s25 =	simm.s32 $0x2;
	s1 =	sand.u32 $0x1, s1  }
0xa: {  	s3 =	sshll.u32 s8, $0x1;
	[smem:$0x7FF] =	sst s2;
	s8 =	smul.u32 $0xC8000, s8  }
0xb: {  	s3 =	sor.u32 s1, s3;
	s6 =	ssub.s32 $0x2, s1;
	s1 =	smul.u32 $0x64000, s1  }
0xc: {  	s28 =	simm.s32 $0x0;
	_ =	strace $0x80000047;
	s5 =	smul.u32 $0x1900, s3  }
0xd: {  	s3 =	sadd.s32 $0x6800, s0;
	s7 =	sshrl.u32 s6, $0x1;
	s29 =	sadd.s32 s8, s4  }
.Ltmp0:
0xe: {  	s8 =	simm.s32 $0x3;
	s4 =	simm.s32 $0xD900;
	(pc) =	sbr.rel .LBB2_1-.Ltmp0, $4  }
0xf: {  	s6 =	ssub.s32 s6, s7;
	s7 =	sadd.s32 s1, s29;
	s5 =	sshrl.u32 s5, $0x3  }
0x10: {  	v2 =	vlaneseq.u32;
	s1 =	simm.s32 $0xC900;
	s26 =	smax.u32 s6, $0x1;
	s5 =	sadd.s32 s5, s0  }
0x11: {  	vm0 =	vmmov $0xffff;
	v1 =	vshrl.u32 v2, $0x3;
	s6 =	simm.s32 $0xE100;
	[dreg:$0x4] =	wrdreg s26;
	s5 =	sadd.s32 $0x400, s5  }
0x12: {  	v0 =	vand.u32 $0x7, v2;
	v2 =	vor.u32 $0x8, v2;
	v1 =	vmul.u32 $0x8, v1;
	[dreg:$0x3] =	wrdreg s5;
	s5 =	sadd.s32 $0x6900, s0;
	s0 =	simm.s32 $0xD100  }
.LBB2_6:
0x13: {  	s28 =	rddreg [dreg:$0x5]  }
0x14: {  	s26 =	rddreg [dreg:$0x4];
	s28 =	sadd.s32 $0x1, s28  }
0x15: {  	p0 =	sne.s32 s28, s26  }
.Ltmp1:
0x16: {  	_ = 	snop;
	(pc) =	sbr.rel @!p0 .LBB2_7-.Ltmp1, $1  }
0x17: {  	_ =	sdelay $0x3  }
.LBB2_1:
0x18: {  	[dreg:$0x5] =	wrdreg s28  }
0x19: {  	s26 =	rddreg [dreg:$0x3]  }
0x1a: {  	[tilespmem:s2], [sflag:$0x3] =	stream.linear.gather [hbm4b:s26+s2], $0x1900, $0x38;
	[tilespmem:$0x15900] =	vst v63  }
0x1b: {  	_ =	swait.ge [sflag:s8], $0x1900  }
0x1c: {  	[sflag:s8] =	ssyncset.done $0x0  }
0x1d: {  	[sflag:s8] =	ssyncadd.s32 $0xFFFFE700  }
0x1e: {  	v3 =	vld [tilespmem:$0x0];
	_ =	sdelay $0x4  }
0x1f: {  	v4 =	vshll.u32 v3, $0x2  }
0x20: {  	v3 =	vand.u32 $0x7, v3;
	v4 =	vand.u32 $0xFFFFFFE0, v4  }
0x21: {  	v3 =	vor.u32 v3, v4  }
0x22: {  	v4 =	vperm.xlane v3, v0;
	_ =	sdelay $0x1  }
0x23: {  	v4 =	vadd.s32 v1, v4;
	_ =	sdelay $0x1  }
0x24: {  	v3 =	vperm.xlane v3, v2;
	_ =	sdelay $0x1  }
0x25: {  	v3 =	vadd.s32 v1, v3  }
0x26: {  	[tilespmem:s9], [sflag:$0x1] =	stream.indirect_vreg.gather [hbm4b:s3+s2], $0x80, v4, vm0, $0xb8;
	[tilespmem:$0x15900] =	vst v63  }
0x27: {  	s29 =	simm.s32 $0x2100  }
0x28: {  	[tilespmem:s29], [sflag:$0x1] =	stream.indirect_vreg.gather [hbm4b:s5+s2], $0x80, v4, vm0, $0xb8;
	[tilespmem:$0x15900] =	vst v63  }
0x29: {  	s29 =	simm.s32 $0x2900  }
0x2a: {  	[tilespmem:s29], [sflag:$0x1] =	stream.indirect_vreg.gather [hbm4b:s3+s2], $0x80, v3, vm0, $0xb8;
	[tilespmem:$0x15900] =	vst v63  }
0x2b: {  	s29 =	simm.s32 $0x3100  }
0x2c: {  	[tilespmem:s29], [sflag:$0x1] =	stream.indirect_vreg.gather [hbm4b:s5+s2], $0x80, v3, vm0, $0xb8;
	[tilespmem:$0x15900] =	vst v63  }
0x2d: {  	v3 =	vld [tilespmem:$0x10];
	_ =	sdelay $0x4  }
0x2e: {  	v55 =	vshll.u32 v3, $0x2  }
0x2f: {  	v3 =	vand.u32 $0x7, v3;
	v4 =	vand.u32 $0xFFFFFFE0, v55  }
0x30: {  	v3 =	vor.u32 v3, v4  }
0x31: {  	v4 =	vperm.xlane v3, v0;
	_ =	sdelay $0x1  }
0x32: {  	v4 =	vadd.s32 v1, v4;
	_ =	sdelay $0x1  }
0x33: {  	v3 =	vperm.xlane v3, v2;
	_ =	sdelay $0x1  }
0x34: {  	s29 =	simm.s32 $0x3900;
	v3 =	vadd.s32 v1, v3  }
0x35: {  	[tilespmem:s29], [sflag:$0x1] =	stream.indirect_vreg.gather [hbm4b:s3+s2], $0x80, v4, vm0, $0xb8;
	[tilespmem:$0x15900] =	vst v63  }
0x36: {  	s29 =	simm.s32 $0x4100  }
0x37: {  	[tilespmem:s29], [sflag:$0x1] =	stream.indirect_vreg.gather [hbm4b:s5+s2], $0x80, v4, vm0, $0xb8;
	[tilespmem:$0x15900] =	vst v63  }
0x38: {  	s29 =	simm.s32 $0x4900  }
0x39: {  	[tilespmem:s29], [sflag:$0x1] =	stream.indirect_vreg.gather [hbm4b:s3+s2], $0x80, v3, vm0, $0xb8;
	[tilespmem:$0x15900] =	vst v63  }
0x3a: {  	s29 =	simm.s32 $0x5100  }
0x3b: {  	[tilespmem:s29], [sflag:$0x1] =	stream.indirect_vreg.gather [hbm4b:s5+s2], $0x80, v3, vm0, $0xb8;
	[tilespmem:$0x15900] =	vst v63  }
0x3c: {  	v3 =	vld [tilespmem:$0x20];
	_ =	sdelay $0x4  }
0x3d: {  	v56 =	vshll.u32 v3, $0x2  }
0x3e: {  	v3 =	vand.u32 $0x7, v3;
	v4 =	vand.u32 $0xFFFFFFE0, v56  }
0x3f: {  	v3 =	vor.u32 v3, v4  }
0x40: {  	v4 =	vperm.xlane v3, v0;
	_ =	sdelay $0x1  }
0x41: {  	v4 =	vadd.s32 v1, v4;
	_ =	sdelay $0x1  }
0x42: {  	v3 =	vperm.xlane v3, v2;
	_ =	sdelay $0x1  }
0x43: {  	s29 =	simm.s32 $0x5900;
	v3 =	vadd.s32 v1, v3  }
0x44: {  	[tilespmem:s29], [sflag:$0x1] =	stream.indirect_vreg.gather [hbm4b:s3+s2], $0x80, v4, vm0, $0xb8;
	[tilespmem:$0x15900] =	vst v63  }
0x45: {  	s29 =	simm.s32 $0x6100  }
0x46: {  	[tilespmem:s29], [sflag:$0x1] =	stream.indirect_vreg.gather [hbm4b:s5+s2], $0x80, v4, vm0, $0xb8;
	[tilespmem:$0x15900] =	vst v63  }
0x47: {  	s29 =	simm.s32 $0x6900  }
0x48: {  	[tilespmem:s29], [sflag:$0x1] =	stream.indirect_vreg.gather [hbm4b:s3+s2], $0x80, v3, vm0, $0xb8;
	[tilespmem:$0x15900] =	vst v63  }
0x49: {  	s29 =	simm.s32 $0x7100  }
0x4a: {  	[tilespmem:s29], [sflag:$0x1] =	stream.indirect_vreg.gather [hbm4b:s5+s2], $0x80, v3, vm0, $0xb8;
	[tilespmem:$0x15900] =	vst v63  }
0x4b: {  	v3 =	vld [tilespmem:$0x30];
	_ =	sdelay $0x4  }
0x4c: {  	v57 =	vshll.u32 v3, $0x2  }
0x4d: {  	v3 =	vand.u32 $0x7, v3;
	v4 =	vand.u32 $0xFFFFFFE0, v57  }
0x4e: {  	v3 =	vor.u32 v3, v4  }
0x4f: {  	v4 =	vperm.xlane v3, v0;
	_ =	sdelay $0x1  }
0x50: {  	v4 =	vadd.s32 v1, v4;
	_ =	sdelay $0x1  }
0x51: {  	v3 =	vperm.xlane v3, v2;
	_ =	sdelay $0x1  }
0x52: {  	s29 =	simm.s32 $0x7900;
	v3 =	vadd.s32 v1, v3  }
0x53: {  	[tilespmem:s29], [sflag:$0x1] =	stream.indirect_vreg.gather [hbm4b:s3+s2], $0x80, v4, vm0, $0xb8;
	[tilespmem:$0x15900] =	vst v63  }
0x54: {  	s29 =	simm.s32 $0x8100  }
0x55: {  	[tilespmem:s29], [sflag:$0x1] =	stream.indirect_vreg.gather [hbm4b:s5+s2], $0x80, v4, vm0, $0xb8;
	[tilespmem:$0x15900] =	vst v63  }
0x56: {  	s29 =	simm.s32 $0x8900  }
0x57: {  	[tilespmem:s29], [sflag:$0x1] =	stream.indirect_vreg.gather [hbm4b:s3+s2], $0x80, v3, vm0, $0xb8;
	[tilespmem:$0x15900] =	vst v63  }
0x58: {  	s29 =	simm.s32 $0x9100  }
0x59: {  	[tilespmem:s29], [sflag:$0x1] =	stream.indirect_vreg.gather [hbm4b:s5+s2], $0x80, v3, vm0, $0xb8;
	[tilespmem:$0x15900] =	vst v63  }
0x5a: {  	v3 =	vld [tilespmem:$0x40];
	_ =	sdelay $0x4  }
0x5b: {  	v58 =	vshll.u32 v3, $0x2  }
0x5c: {  	v3 =	vand.u32 $0x7, v3;
	v4 =	vand.u32 $0xFFFFFFE0, v58  }
0x5d: {  	v3 =	vor.u32 v3, v4  }
0x5e: {  	v4 =	vperm.xlane v3, v0;
	_ =	sdelay $0x1  }
0x5f: {  	v4 =	vadd.s32 v1, v4;
	_ =	sdelay $0x1  }
0x60: {  	v3 =	vperm.xlane v3, v2;
	_ =	sdelay $0x1  }
0x61: {  	s29 =	simm.s32 $0x9900;
	v3 =	vadd.s32 v1, v3  }
0x62: {  	[tilespmem:s29], [sflag:$0x1] =	stream.indirect_vreg.gather [hbm4b:s3+s2], $0x80, v4, vm0, $0xb8;
	[tilespmem:$0x15900] =	vst v63  }
0x63: {  	s29 =	simm.s32 $0xA100  }
0x64: {  	[tilespmem:s29], [sflag:$0x1] =	stream.indirect_vreg.gather [hbm4b:s5+s2], $0x80, v4, vm0, $0xb8;
	[tilespmem:$0x15900] =	vst v63  }
0x65: {  	s29 =	simm.s32 $0xA900  }
0x66: {  	[tilespmem:s29], [sflag:$0x1] =	stream.indirect_vreg.gather [hbm4b:s3+s2], $0x80, v3, vm0, $0xb8;
	[tilespmem:$0x15900] =	vst v63  }
0x67: {  	s29 =	simm.s32 $0xB100  }
0x68: {  	[tilespmem:s29], [sflag:$0x1] =	stream.indirect_vreg.gather [hbm4b:s5+s2], $0x80, v3, vm0, $0xb8;
	[tilespmem:$0x15900] =	vst v63  }
0x69: {  	v3 =	vld [tilespmem:$0x50];
	_ =	sdelay $0x4  }
0x6a: {  	v59 =	vshll.u32 v3, $0x2  }
0x6b: {  	v3 =	vand.u32 $0x7, v3;
	v4 =	vand.u32 $0xFFFFFFE0, v59  }
0x6c: {  	v3 =	vor.u32 v3, v4  }
0x6d: {  	v4 =	vperm.xlane v3, v0;
	_ =	sdelay $0x1  }
0x6e: {  	v4 =	vadd.s32 v1, v4;
	_ =	sdelay $0x1  }
0x6f: {  	v3 =	vperm.xlane v3, v2;
	_ =	sdelay $0x1  }
0x70: {  	v3 =	vadd.s32 v1, v3  }
0x71: {  	[tilespmem:s30], [sflag:$0x2] =	stream.indirect_vreg.gather [hbm4b:s3+s2], $0x80, v4, vm0, $0xb8;
	[tilespmem:$0x15900] =	vst v63  }
0x72: {  	_ = 	snop  }
0x73: {  	[tilespmem:s31], [sflag:$0x2] =	stream.indirect_vreg.gather [hbm4b:s5+s2], $0x80, v4, vm0, $0xb8;
	[tilespmem:$0x15900] =	vst v63  }
0x74: {  	_ = 	snop  }
0x75: {  	[tilespmem:s1], [sflag:$0x2] =	stream.indirect_vreg.gather [hbm4b:s3+s2], $0x80, v3, vm0, $0xb8;
	[tilespmem:$0x15900] =	vst v63  }
0x76: {  	_ = 	snop  }
0x77: {  	[tilespmem:s0], [sflag:$0x2] =	stream.indirect_vreg.gather [hbm4b:s5+s2], $0x80, v3, vm0, $0xb8;
	[tilespmem:$0x15900] =	vst v63  }
0x78: {  	v3 =	vld [tilespmem:$0x60];
	_ =	sdelay $0x4  }
0x79: {  	v60 =	vshll.u32 v3, $0x2  }
0x7a: {  	v3 =	vand.u32 $0x7, v3;
	v4 =	vand.u32 $0xFFFFFFE0, v60  }
0x7b: {  	v3 =	vor.u32 v3, v4  }
0x7c: {  	v4 =	vperm.xlane v3, v0;
	_ =	sdelay $0x1  }
0x7d: {  	v4 =	vadd.s32 v1, v4;
	_ =	sdelay $0x1  }
0x7e: {  	v3 =	vperm.xlane v3, v2;
	_ =	sdelay $0x1  }
0x7f: {  	v3 =	vadd.s32 v1, v3  }
0x80: {  	[tilespmem:s4], [sflag:$0x2] =	stream.indirect_vreg.gather [hbm4b:s3+s2], $0x80, v4, vm0, $0xb8;
	[tilespmem:$0x15900] =	vst v63  }
0x81: {  	_ = 	snop  }
0x82: {  	[tilespmem:s6], [sflag:$0x2] =	stream.indirect_vreg.gather [hbm4b:s5+s2], $0x80, v4, vm0, $0xb8;
	[tilespmem:$0x15900] =	vst v63  }
0x83: {  	_ = 	snop  }
0x84: {  	[tilespmem:s10], [sflag:$0x2] =	stream.indirect_vreg.gather [hbm4b:s3+s2], $0x80, v3, vm0, $0xb8;
	[tilespmem:$0x15900] =	vst v63  }
0x85: {  	_ = 	snop  }
0x86: {  	[tilespmem:s11], [sflag:$0x2] =	stream.indirect_vreg.gather [hbm4b:s5+s2], $0x80, v3, vm0, $0xb8;
	[tilespmem:$0x15900] =	vst v63  }
0x87: {  	v3 =	vld [tilespmem:$0x70];
	_ =	sdelay $0x4  }
0x88: {  	v61 =	vshll.u32 v3, $0x2  }
0x89: {  	v3 =	vand.u32 $0x7, v3;
	v4 =	vand.u32 $0xFFFFFFE0, v61  }
0x8a: {  	v3 =	vor.u32 v3, v4  }
0x8b: {  	v4 =	vperm.xlane v3, v0;
	_ =	sdelay $0x1  }
0x8c: {  	v4 =	vadd.s32 v1, v4;
	_ =	sdelay $0x1  }
0x8d: {  	v3 =	vperm.xlane v3, v2;
	_ =	sdelay $0x1  }
0x8e: {  	v3 =	vadd.s32 v1, v3  }
0x8f: {  	[tilespmem:s12], [sflag:$0x2] =	stream.indirect_vreg.gather [hbm4b:s3+s2], $0x80, v4, vm0, $0xb8;
	[tilespmem:$0x15900] =	vst v63  }
0x90: {  	_ = 	snop  }
0x91: {  	[tilespmem:s13], [sflag:$0x2] =	stream.indirect_vreg.gather [hbm4b:s5+s2], $0x80, v4, vm0, $0xb8;
	[tilespmem:$0x15900] =	vst v63  }
0x92: {  	_ = 	snop  }
0x93: {  	[tilespmem:s14], [sflag:$0x2] =	stream.indirect_vreg.gather [hbm4b:s3+s2], $0x80, v3, vm0, $0xb8;
	[tilespmem:$0x15900] =	vst v63  }
0x94: {  	_ = 	snop  }
0x95: {  	[tilespmem:s15], [sflag:$0x2] =	stream.indirect_vreg.gather [hbm4b:s5+s2], $0x80, v3, vm0, $0xb8;
	[tilespmem:$0x15900] =	vst v63  }
0x96: {  	v3 =	vld [tilespmem:$0x80];
	_ =	sdelay $0x4  }
0x97: {  	v62 =	vshll.u32 v3, $0x2  }
0x98: {  	v3 =	vand.u32 $0x7, v3;
	v4 =	vand.u32 $0xFFFFFFE0, v62  }
0x99: {  	v3 =	vor.u32 v3, v4  }
0x9a: {  	v4 =	vperm.xlane v3, v0;
	_ =	sdelay $0x1  }
0x9b: {  	v4 =	vadd.s32 v1, v4;
	_ =	sdelay $0x1  }
0x9c: {  	v3 =	vperm.xlane v3, v2;
	_ =	sdelay $0x1  }
0x9d: {  	v3 =	vadd.s32 v1, v3  }
0x9e: {  	[tilespmem:s16], [sflag:$0x2] =	stream.indirect_vreg.gather [hbm4b:s3+s2], $0x80, v4, vm0, $0xb8;
	[tilespmem:$0x15900] =	vst v63  }
0x9f: {  	_ = 	snop  }
0xa0: {  	[tilespmem:s17], [sflag:$0x2] =	stream.indirect_vreg.gather [hbm4b:s5+s2], $0x80, v4, vm0, $0xb8;
	[tilespmem:$0x15900] =	vst v63  }
0xa1: {  	_ = 	snop  }
0xa2: {  	[tilespmem:s18], [sflag:$0x2] =	stream.indirect_vreg.gather [hbm4b:s3+s2], $0x80, v3, vm0, $0xb8;
	[tilespmem:$0x15900] =	vst v63  }
0xa3: {  	_ = 	snop  }
0xa4: {  	[tilespmem:s19], [sflag:$0x2] =	stream.indirect_vreg.gather [hbm4b:s5+s2], $0x80, v3, vm0, $0xb8;
	[tilespmem:$0x15900] =	vst v63  }
0xa5: {  	v3 =	vld [tilespmem:$0x90];
	_ =	sdelay $0x4  }
0xa6: {  	v63 =	vshll.u32 v3, $0x2  }
0xa7: {  	v3 =	vand.u32 $0x7, v3;
	v4 =	vand.u32 $0xFFFFFFE0, v63  }
0xa8: {  	v3 =	vor.u32 v3, v4  }
0xa9: {  	v4 =	vperm.xlane v3, v0;
	_ =	sdelay $0x1  }
0xaa: {  	v4 =	vadd.s32 v1, v4;
	_ =	sdelay $0x1  }
0xab: {  	v3 =	vperm.xlane v3, v2;
	_ =	sdelay $0x1  }
0xac: {  	v3 =	vadd.s32 v1, v3  }
0xad: {  	[tilespmem:s20], [sflag:$0x2] =	stream.indirect_vreg.gather [hbm4b:s3+s2], $0x80, v4, vm0, $0xb8;
	[tilespmem:$0x15900] =	vst v63  }
0xae: {  	_ = 	snop  }
0xaf: {  	[tilespmem:s21], [sflag:$0x2] =	stream.indirect_vreg.gather [hbm4b:s5+s2], $0x80, v4, vm0, $0xb8;
	[tilespmem:$0x15900] =	vst v63  }
0xb0: {  	_ = 	snop  }
0xb1: {  	[tilespmem:s22], [sflag:$0x2] =	stream.indirect_vreg.gather [hbm4b:s3+s2], $0x80, v3, vm0, $0xb8;
	[tilespmem:$0x15900] =	vst v63  }
0xb2: {  	s28 =	simm.s32 $0x0;
	s26 =	simm.s32 $0x130  }
0xb3: {  	[tilespmem:s23], [sflag:$0x2] =	stream.indirect_vreg.gather [hbm4b:s5+s2], $0x80, v3, vm0, $0xb8;
	[tilespmem:$0x15900] =	vst v63  }
.LBB2_2:
0xb4: {  	_ =	swait.ge [sflag:s24], $0xA000  }
0xb5: {  	p0 =	seq.s32 s28, $0x61800;
	[sflag:s24] =	ssyncset.done $0x0  }
.Ltmp2:
0xb6: {  	s29 =	sadd.s32 s28, s7;
	[sflag:s24] =	ssyncadd.s32 $0xFFFF6000;
	(pc) =	sbr.rel @p0 .LBB2_4-.Ltmp2, $4  }
0xb7: {  	[hbm4b:s29+s2] =	stream.linear.scatter [tilespmem:s9], [sflag:$0x3], $0xA000, $0x38;
	[tilespmem:$0x15900] =	vst v63  }
0xb8: {  	_ =	swait.ge [sflag:s8], $0xA000  }
0xb9: {  	[sflag:s8] =	ssyncset.done $0x0  }
0xba: {  	[sflag:s8] =	ssyncadd.s32 $0xFFFF6000  }
0xbb: {  	v3 =	vld [tilespmem:s26+$0xFFFFFF70];
	_ =	sdelay $0x4  }
0xbc: {  	v4 =	vshll.u32 v3, $0x2  }
0xbd: {  	v3 =	vand.u32 $0x7, v3;
	v4 =	vand.u32 $0xFFFFFFE0, v4  }
0xbe: {  	v3 =	vor.u32 v3, v4  }
0xbf: {  	v4 =	vperm.xlane v3, v0;
	_ =	sdelay $0x1  }
0xc0: {  	v4 =	vadd.s32 v1, v4;
	_ =	sdelay $0x1  }
0xc1: {  	v3 =	vperm.xlane v3, v2;
	_ =	sdelay $0x1  }
0xc2: {  	v3 =	vadd.s32 v1, v3  }
0xc3: {  	[tilespmem:s9], [sflag:$0x1] =	stream.indirect_vreg.gather [hbm4b:s3+s2], $0x80, v4, vm0, $0xb8;
	[tilespmem:$0x15900] =	vst v63  }
0xc4: {  	s31 =	simm.s32 $0x2100  }
0xc5: {  	[tilespmem:s31], [sflag:$0x1] =	stream.indirect_vreg.gather [hbm4b:s5+s2], $0x80, v4, vm0, $0xb8;
	[tilespmem:$0x15900] =	vst v63  }
0xc6: {  	s31 =	simm.s32 $0x2900  }
0xc7: {  	[tilespmem:s31], [sflag:$0x1] =	stream.indirect_vreg.gather [hbm4b:s3+s2], $0x80, v3, vm0, $0xb8;
	[tilespmem:$0x15900] =	vst v63  }
0xc8: {  	s31 =	simm.s32 $0x3100  }
0xc9: {  	[tilespmem:s31], [sflag:$0x1] =	stream.indirect_vreg.gather [hbm4b:s5+s2], $0x80, v3, vm0, $0xb8;
	[tilespmem:$0x15900] =	vst v63  }
0xca: {  	v3 =	vld [tilespmem:s26+$0xFFFFFF80];
	_ =	sdelay $0x4  }
0xcb: {  	v60 =	vshll.u32 v3, $0x2  }
0xcc: {  	v3 =	vand.u32 $0x7, v3;
	v4 =	vand.u32 $0xFFFFFFE0, v60  }
0xcd: {  	v3 =	vor.u32 v3, v4  }
0xce: {  	v4 =	vperm.xlane v3, v0;
	_ =	sdelay $0x1  }
0xcf: {  	v4 =	vadd.s32 v1, v4;
	_ =	sdelay $0x1  }
0xd0: {  	v3 =	vperm.xlane v3, v2;
	_ =	sdelay $0x1  }
0xd1: {  	s31 =	simm.s32 $0x3900;
	v3 =	vadd.s32 v1, v3  }
0xd2: {  	[tilespmem:s31], [sflag:$0x1] =	stream.indirect_vreg.gather [hbm4b:s3+s2], $0x80, v4, vm0, $0xb8;
	[tilespmem:$0x15900] =	vst v63  }
0xd3: {  	s31 =	simm.s32 $0x4100  }
0xd4: {  	[tilespmem:s31], [sflag:$0x1] =	stream.indirect_vreg.gather [hbm4b:s5+s2], $0x80, v4, vm0, $0xb8;
	[tilespmem:$0x15900] =	vst v63  }
0xd5: {  	s31 =	simm.s32 $0x4900  }
0xd6: {  	[tilespmem:s31], [sflag:$0x1] =	stream.indirect_vreg.gather [hbm4b:s3+s2], $0x80, v3, vm0, $0xb8;
	[tilespmem:$0x15900] =	vst v63  }
0xd7: {  	s31 =	simm.s32 $0x5100  }
0xd8: {  	[tilespmem:s31], [sflag:$0x1] =	stream.indirect_vreg.gather [hbm4b:s5+s2], $0x80, v3, vm0, $0xb8;
	[tilespmem:$0x15900] =	vst v63  }
0xd9: {  	v3 =	vld [tilespmem:s26+$0xFFFFFF90];
	_ =	sdelay $0x4  }
0xda: {  	v61 =	vshll.u32 v3, $0x2  }
0xdb: {  	v3 =	vand.u32 $0x7, v3;
	v4 =	vand.u32 $0xFFFFFFE0, v61  }
0xdc: {  	v3 =	vor.u32 v3, v4  }
0xdd: {  	v4 =	vperm.xlane v3, v0;
	_ =	sdelay $0x1  }
0xde: {  	v4 =	vadd.s32 v1, v4;
	_ =	sdelay $0x1  }
0xdf: {  	v3 =	vperm.xlane v3, v2;
	_ =	sdelay $0x1  }
0xe0: {  	s31 =	simm.s32 $0x5900;
	v3 =	vadd.s32 v1, v3  }
0xe1: {  	[tilespmem:s31], [sflag:$0x1] =	stream.indirect_vreg.gather [hbm4b:s3+s2], $0x80, v4, vm0, $0xb8;
	[tilespmem:$0x15900] =	vst v63  }
0xe2: {  	s31 =	simm.s32 $0x6100  }
0xe3: {  	[tilespmem:s31], [sflag:$0x1] =	stream.indirect_vreg.gather [hbm4b:s5+s2], $0x80, v4, vm0, $0xb8;
	[tilespmem:$0x15900] =	vst v63  }
0xe4: {  	s31 =	simm.s32 $0x6900  }
0xe5: {  	[tilespmem:s31], [sflag:$0x1] =	stream.indirect_vreg.gather [hbm4b:s3+s2], $0x80, v3, vm0, $0xb8;
	[tilespmem:$0x15900] =	vst v63  }
0xe6: {  	s31 =	simm.s32 $0x7100  }
0xe7: {  	[tilespmem:s31], [sflag:$0x1] =	stream.indirect_vreg.gather [hbm4b:s5+s2], $0x80, v3, vm0, $0xb8;
	[tilespmem:$0x15900] =	vst v63  }
0xe8: {  	v3 =	vld [tilespmem:s26+$0xFFFFFFA0];
	_ =	sdelay $0x4  }
0xe9: {  	v62 =	vshll.u32 v3, $0x2  }
0xea: {  	v3 =	vand.u32 $0x7, v3;
	v4 =	vand.u32 $0xFFFFFFE0, v62  }
0xeb: {  	v3 =	vor.u32 v3, v4  }
0xec: {  	v4 =	vperm.xlane v3, v0;
	_ =	sdelay $0x1  }
0xed: {  	v4 =	vadd.s32 v1, v4;
	_ =	sdelay $0x1  }
0xee: {  	v3 =	vperm.xlane v3, v2;
	_ =	sdelay $0x1  }
0xef: {  	s31 =	simm.s32 $0x7900;
	v3 =	vadd.s32 v1, v3  }
0xf0: {  	[tilespmem:s31], [sflag:$0x1] =	stream.indirect_vreg.gather [hbm4b:s3+s2], $0x80, v4, vm0, $0xb8;
	[tilespmem:$0x15900] =	vst v63  }
0xf1: {  	s31 =	simm.s32 $0x8100  }
0xf2: {  	[tilespmem:s31], [sflag:$0x1] =	stream.indirect_vreg.gather [hbm4b:s5+s2], $0x80, v4, vm0, $0xb8;
	[tilespmem:$0x15900] =	vst v63  }
0xf3: {  	s31 =	simm.s32 $0x8900  }
0xf4: {  	[tilespmem:s31], [sflag:$0x1] =	stream.indirect_vreg.gather [hbm4b:s3+s2], $0x80, v3, vm0, $0xb8;
	[tilespmem:$0x15900] =	vst v63  }
0xf5: {  	s31 =	simm.s32 $0x9100  }
0xf6: {  	[tilespmem:s31], [sflag:$0x1] =	stream.indirect_vreg.gather [hbm4b:s5+s2], $0x80, v3, vm0, $0xb8;
	[tilespmem:$0x15900] =	vst v63  }
0xf7: {  	v3 =	vld [tilespmem:s26+$0xFFFFFFB0];
	_ =	sdelay $0x4  }
0xf8: {  	v63 =	vshll.u32 v3, $0x2  }
0xf9: {  	v3 =	vand.u32 $0x7, v3;
	v4 =	vand.u32 $0xFFFFFFE0, v63  }
0xfa: {  	v3 =	vor.u32 v3, v4  }
0xfb: {  	v4 =	vperm.xlane v3, v0;
	_ =	sdelay $0x1  }
0xfc: {  	v4 =	vadd.s32 v1, v4;
	_ =	sdelay $0x1  }
0xfd: {  	v3 =	vperm.xlane v3, v2;
	_ =	sdelay $0x1  }
0xfe: {  	s31 =	simm.s32 $0x9900;
	v3 =	vadd.s32 v1, v3  }
0xff: {  	[tilespmem:s31], [sflag:$0x1] =	stream.indirect_vreg.gather [hbm4b:s3+s2], $0x80, v4, vm0, $0xb8;
	[tilespmem:$0x15900] =	vst v63  }
0x100: {  	s31 =	simm.s32 $0xA100  }
0x101: {  	[tilespmem:s31], [sflag:$0x1] =	stream.indirect_vreg.gather [hbm4b:s5+s2], $0x80, v4, vm0, $0xb8;
	[tilespmem:$0x15900] =	vst v63  }
0x102: {  	s31 =	simm.s32 $0xA900  }
0x103: {  	[tilespmem:s31], [sflag:$0x1] =	stream.indirect_vreg.gather [hbm4b:s3+s2], $0x80, v3, vm0, $0xb8;
	[tilespmem:$0x15900] =	vst v63  }
0x104: {  	s31 =	simm.s32 $0xB100  }
0x105: {  	[tilespmem:s31], [sflag:$0x1] =	stream.indirect_vreg.gather [hbm4b:s5+s2], $0x80, v3, vm0, $0xb8;
	[tilespmem:$0x15900] =	vst v63  }
0x106: {  	s31 =	simm.s32 $0xC100  }
.LBB2_4:
0x107: {  	_ =	swait.ge [sflag:s25], $0xA000  }
0x108: {  	[sflag:s25] =	ssyncset.done $0x0  }
.Ltmp3:
0x109: {  	s29 =	sadd.s32 $0x1400, s29;
	[sflag:s25] =	ssyncadd.s32 $0xFFFF6000;
	(pc) =	sbr.rel @p0 .LBB2_6-.Ltmp3, $4  }
0x10a: {  	[hbm4b:s29+s2] =	stream.linear.scatter [tilespmem:s30], [sflag:$0x3], $0xA000, $0x38;
	[tilespmem:$0x15900] =	vst v63  }
0x10b: {  	_ =	swait.ge [sflag:s8], $0xA000  }
0x10c: {  	[sflag:s8] =	ssyncset.done $0x0  }
0x10d: {  	[sflag:s8] =	ssyncadd.s32 $0xFFFF6000  }
0x10e: {  	v3 =	vld [tilespmem:s26+$0xFFFFFFC0];
	_ =	sdelay $0x4  }
0x10f: {  	v4 =	vshll.u32 v3, $0x2  }
0x110: {  	v3 =	vand.u32 $0x7, v3;
	v4 =	vand.u32 $0xFFFFFFE0, v4  }
0x111: {  	v3 =	vor.u32 v3, v4  }
0x112: {  	v4 =	vperm.xlane v3, v0;
	_ =	sdelay $0x1  }
0x113: {  	v4 =	vadd.s32 v1, v4;
	_ =	sdelay $0x1  }
0x114: {  	v3 =	vperm.xlane v3, v2;
	_ =	sdelay $0x1  }
0x115: {  	v3 =	vadd.s32 v1, v3  }
0x116: {  	[tilespmem:s30], [sflag:$0x2] =	stream.indirect_vreg.gather [hbm4b:s3+s2], $0x80, v4, vm0, $0xb8;
	[tilespmem:$0x15900] =	vst v63  }
0x117: {  	_ = 	snop  }
0x118: {  	[tilespmem:s31], [sflag:$0x2] =	stream.indirect_vreg.gather [hbm4b:s5+s2], $0x80, v4, vm0, $0xb8;
	[tilespmem:$0x15900] =	vst v63  }
0x119: {  	_ = 	snop  }
0x11a: {  	[tilespmem:s1], [sflag:$0x2] =	stream.indirect_vreg.gather [hbm4b:s3+s2], $0x80, v3, vm0, $0xb8;
	[tilespmem:$0x15900] =	vst v63  }
0x11b: {  	_ = 	snop  }
0x11c: {  	[tilespmem:s0], [sflag:$0x2] =	stream.indirect_vreg.gather [hbm4b:s5+s2], $0x80, v3, vm0, $0xb8;
	[tilespmem:$0x15900] =	vst v63  }
0x11d: {  	v3 =	vld [tilespmem:s26+$0xFFFFFFD0];
	_ =	sdelay $0x4  }
0x11e: {  	v60 =	vshll.u32 v3, $0x2  }
0x11f: {  	v3 =	vand.u32 $0x7, v3;
	v4 =	vand.u32 $0xFFFFFFE0, v60  }
0x120: {  	v3 =	vor.u32 v3, v4  }
0x121: {  	v4 =	vperm.xlane v3, v0;
	_ =	sdelay $0x1  }
0x122: {  	v4 =	vadd.s32 v1, v4;
	_ =	sdelay $0x1  }
0x123: {  	v3 =	vperm.xlane v3, v2;
	_ =	sdelay $0x1  }
0x124: {  	v3 =	vadd.s32 v1, v3  }
0x125: {  	[tilespmem:s4], [sflag:$0x2] =	stream.indirect_vreg.gather [hbm4b:s3+s2], $0x80, v4, vm0, $0xb8;
	[tilespmem:$0x15900] =	vst v63  }
0x126: {  	_ = 	snop  }
0x127: {  	[tilespmem:s6], [sflag:$0x2] =	stream.indirect_vreg.gather [hbm4b:s5+s2], $0x80, v4, vm0, $0xb8;
	[tilespmem:$0x15900] =	vst v63  }
0x128: {  	_ = 	snop  }
0x129: {  	[tilespmem:s10], [sflag:$0x2] =	stream.indirect_vreg.gather [hbm4b:s3+s2], $0x80, v3, vm0, $0xb8;
	[tilespmem:$0x15900] =	vst v63  }
0x12a: {  	_ = 	snop  }
0x12b: {  	[tilespmem:s11], [sflag:$0x2] =	stream.indirect_vreg.gather [hbm4b:s5+s2], $0x80, v3, vm0, $0xb8;
	[tilespmem:$0x15900] =	vst v63  }
0x12c: {  	v3 =	vld [tilespmem:s26+$0xFFFFFFE0];
	_ =	sdelay $0x4  }
0x12d: {  	v61 =	vshll.u32 v3, $0x2  }
0x12e: {  	v3 =	vand.u32 $0x7, v3;
	v4 =	vand.u32 $0xFFFFFFE0, v61  }
0x12f: {  	v3 =	vor.u32 v3, v4  }
0x130: {  	v4 =	vperm.xlane v3, v0;
	_ =	sdelay $0x1  }
0x131: {  	v4 =	vadd.s32 v1, v4;
	_ =	sdelay $0x1  }
0x132: {  	v3 =	vperm.xlane v3, v2;
	_ =	sdelay $0x1  }
0x133: {  	v3 =	vadd.s32 v1, v3  }
0x134: {  	[tilespmem:s12], [sflag:$0x2] =	stream.indirect_vreg.gather [hbm4b:s3+s2], $0x80, v4, vm0, $0xb8;
	[tilespmem:$0x15900] =	vst v63  }
0x135: {  	_ = 	snop  }
0x136: {  	[tilespmem:s13], [sflag:$0x2] =	stream.indirect_vreg.gather [hbm4b:s5+s2], $0x80, v4, vm0, $0xb8;
	[tilespmem:$0x15900] =	vst v63  }
0x137: {  	_ = 	snop  }
0x138: {  	[tilespmem:s14], [sflag:$0x2] =	stream.indirect_vreg.gather [hbm4b:s3+s2], $0x80, v3, vm0, $0xb8;
	[tilespmem:$0x15900] =	vst v63  }
0x139: {  	_ = 	snop  }
0x13a: {  	[tilespmem:s15], [sflag:$0x2] =	stream.indirect_vreg.gather [hbm4b:s5+s2], $0x80, v3, vm0, $0xb8;
	[tilespmem:$0x15900] =	vst v63  }
0x13b: {  	v3 =	vld [tilespmem:s26+$0xFFFFFFF0];
	_ =	sdelay $0x4  }
0x13c: {  	v62 =	vshll.u32 v3, $0x2  }
0x13d: {  	v3 =	vand.u32 $0x7, v3;
	v4 =	vand.u32 $0xFFFFFFE0, v62  }
0x13e: {  	v3 =	vor.u32 v3, v4  }
0x13f: {  	v4 =	vperm.xlane v3, v0;
	_ =	sdelay $0x1  }
0x140: {  	v4 =	vadd.s32 v1, v4;
	_ =	sdelay $0x1  }
0x141: {  	v3 =	vperm.xlane v3, v2;
	_ =	sdelay $0x1  }
0x142: {  	v3 =	vadd.s32 v1, v3  }
0x143: {  	[tilespmem:s16], [sflag:$0x2] =	stream.indirect_vreg.gather [hbm4b:s3+s2], $0x80, v4, vm0, $0xb8;
	[tilespmem:$0x15900] =	vst v63  }
0x144: {  	_ = 	snop  }
0x145: {  	[tilespmem:s17], [sflag:$0x2] =	stream.indirect_vreg.gather [hbm4b:s5+s2], $0x80, v4, vm0, $0xb8;
	[tilespmem:$0x15900] =	vst v63  }
0x146: {  	_ = 	snop  }
0x147: {  	[tilespmem:s18], [sflag:$0x2] =	stream.indirect_vreg.gather [hbm4b:s3+s2], $0x80, v3, vm0, $0xb8;
	[tilespmem:$0x15900] =	vst v63  }
0x148: {  	_ = 	snop  }
0x149: {  	[tilespmem:s19], [sflag:$0x2] =	stream.indirect_vreg.gather [hbm4b:s5+s2], $0x80, v3, vm0, $0xb8;
	[tilespmem:$0x15900] =	vst v63  }
0x14a: {  	v3 =	vld [tilespmem:s26+$0x0];
	_ =	sdelay $0x4  }
0x14b: {  	v63 =	vshll.u32 v3, $0x2  }
0x14c: {  	v3 =	vand.u32 $0x7, v3;
	v4 =	vand.u32 $0xFFFFFFE0, v63  }
0x14d: {  	v3 =	vor.u32 v3, v4  }
0x14e: {  	v4 =	vperm.xlane v3, v0;
	_ =	sdelay $0x1  }
0x14f: {  	v4 =	vadd.s32 v1, v4;
	_ =	sdelay $0x2  }
0x150: {  	v3 =	vperm.xlane v3, v2;
	_ =	sdelay $0x1  }
0x151: {  	v3 =	vadd.s32 v1, v3;
	[tilespmem:s20], [sflag:$0x2] =	stream.indirect_vreg.gather [hbm4b:s3+s2], $0x80, v4, vm0, $0xb8;
	[tilespmem:$0x15900] =	vst v63  }
0x152: {  	_ = 	snop  }
0x153: {  	[tilespmem:s21], [sflag:$0x2] =	stream.indirect_vreg.gather [hbm4b:s5+s2], $0x80, v4, vm0, $0xb8;
	[tilespmem:$0x15900] =	vst v63  }
.Ltmp4:
0x154: {  	_ = 	snop;
	(pc) =	sbr.rel .LBB2_2-.Ltmp4, $4  }
0x155: {  	_ = 	snop  }
0x156: {  	[tilespmem:s22], [sflag:$0x2] =	stream.indirect_vreg.gather [hbm4b:s3+s2], $0x80, v3, vm0, $0xb8;
	[tilespmem:$0x15900] =	vst v63  }
0x157: {  	s28 =	sadd.s32 $0x2800, s28;
	s26 =	sadd.s32 $0xA0, s26  }
0x158: {  	[tilespmem:s23], [sflag:$0x2] =	stream.indirect_vreg.gather [hbm4b:s5+s2], $0x80, v3, vm0, $0xb8;
	[tilespmem:$0x15900] =	vst v63  }
.LBB2_7:
0x159: {  	_ =	sfence.sel $0x180000  }
0x15a: {  	[bflag:$0x0] =	sbarrier.arrive $0xFFFF  }
0x15b: {  	_ =	strace $0x90000047  }
0x15c: {  	s0 =	stileid.u32;
	[bflag:$0x2] =	sbarrier.arrive $0xFFFF  }
0x15d: {  	p0 =	sne.s32 s0, $0x0;
	s0 =	rddreg [dreg:$0x2]  }
0x15e: {  	s0 =	sadd.s32 @!p0 $0x100000, s0  }
0x15f: {  	[sflag:s0] =	ssyncadd.tile.s32 @!p0 $0x1;
	_ =	shalt  }
.Lfunc_end2:
_tile_overlayer_lowered:
.L_overlay_start_2:
0x160: {  	(tag) =	ssettag $0x2  }
0x161: {  	s0 =	rddreg [dreg:$0x0];
	s2 =	stileid.u32  }
0x162: {  	s1 =	rddreg [dreg:$0x1];
	p0 =	sne.s32 s2, $0x0  }
0x163: {  	s3 =	rddreg [dreg:$0x2];
	[bflag:$0x3] =	sbarrier.arrive $0xFFFF;
	s2 =	simm.s32 @!p0 $0x1C03  }
0x164: {  	[timem:s3], [sflag:s2] =	dma.local @!p0 [hbm:s0], s1  }
0x165: {  	s0 =	simm.s32 @!p0 $0x3  }
0x166: {  	_ =	swait.ge @!p0 [sflag:s0], s1  }
0x167: {  	s1 =	ssub.s32 @!p0 $0x0, s1;
	[sflag:s0] =	ssyncset.done @!p0 $0x0  }
0x168: {  	[sflag:s0] =	ssyncadd.s32 @!p0 s1  }
0x169: {  	[bflag:$0x3] =	sbarrier.arrive $0xFFFF  }
0x16a: {  	_ =	shalt  }

</sc_bundles>
